<compile_context>
chip_gen: v7x
topology: tpu7x:2x2x1
jax: 0.10.2.dev20260603
libtpu: 0.0.44.dev20260713+nightly
codegen_flags: <defaults>
</compile_context>

<pallas_src>
import functools
import math

import numpy as np
import jax
import jax.numpy as jnp
from jax import lax
from jax.experimental import pallas as pl
from jax.experimental.pallas import tpu as pltpu
from jax.experimental.pallas import tpu_sc as plsc

D_MODEL = 1024
MAX_LENGTH = 8192
_PAD = 0
_B = 4
_NW = 32
_LW = MAX_LENGTH // _NW
_RS = 32
_NSUB = _LW // _RS


def _pe_table():
    position = np.arange(MAX_LENGTH, dtype=np.float64)[:, None]
    scale = -math.log(10000.0) / D_MODEL
    div = np.exp(np.arange(0, D_MODEL, 2, dtype=np.float64) * scale)
    pe = np.zeros((MAX_LENGTH, D_MODEL), dtype=np.float64)
    pe[:, 0::2] = np.sin(position * div)
    pe[:, 1::2] = np.cos(position * div)
    return pe.astype(np.float32)


_PE = _pe_table()

_mesh = plsc.VectorSubcoreMesh(core_axis_name="c", subcore_axis_name="s")


@functools.partial(
    pl.kernel,
    mesh=_mesh,
    out_type=jax.ShapeDtypeStruct((_B, MAX_LENGTH, D_MODEL), jnp.float32),
    scratch_types=[
        pltpu.VMEM((_RS, D_MODEL), jnp.float32),
        pltpu.VMEM((_RS, D_MODEL), jnp.float32),
        pltpu.VMEM((_RS, D_MODEL), jnp.float32),
        pltpu.VMEM((_RS, 16), jnp.float32),
    ],
)
def _sc_kernel(emb_hbm, msk_hbm, pe_hbm, out_hbm, pe_v, emb_v, out_v, msk_v):
    cid = lax.axis_index("c")
    sid = lax.axis_index("s")
    wid = sid * 2 + cid
    l0 = wid * _LW

    def sub_body(j, _):
        lbase = l0 + j * _RS
        pltpu.sync_copy(pe_hbm.at[pl.ds(lbase, _RS)], pe_v)

        def b_body(b, _):
            pltpu.sync_copy(emb_hbm.at[b, pl.ds(lbase, _RS)], emb_v)
            pltpu.sync_copy(msk_hbm.at[b, pl.ds(lbase, _RS)], msk_v)

            def r_body(row, _):
                m = msk_v[row, :]

                def k_body(k, _):
                    sl = pl.ds(k * 16, 16)
                    out_v[row, sl] = emb_v[row, sl] + pe_v[row, sl] * m
                    return 0

                lax.fori_loop(0, D_MODEL // 16, k_body, 0)
                return 0

            lax.fori_loop(0, _RS, r_body, 0)
            pltpu.sync_copy(out_v, out_hbm.at[b, pl.ds(lbase, _RS)])
            return 0

        lax.fori_loop(0, _B, b_body, 0)
        return 0

    lax.fori_loop(0, _NSUB, sub_body, 0)


def kernel(embedded, symbol):
    mask = jnp.broadcast_to(
        (symbol != _PAD).astype(jnp.float32)[:, :, None], symbol.shape + (16,))
    return _sc_kernel(embedded, mask, jnp.asarray(_PE))

# --- scband reference (transcript-rebuilt; emitter-appended) ---
"""Pipeline reference for scband-sinusoidal-encoding-23227183137468 (READ-ONLY COPY).

The authoritative reference and input builder live on the scoring server;
editing this copy changes nothing except your own understanding.
"""

import math
import jax, jax.numpy as jnp
import numpy as np

D_MODEL = 1024
MAX_LENGTH = 8192
PAD_IDX = 0


def make_positional_encoding(max_length, d_model):
    position = jnp.arange(0, max_length, dtype=jnp.float32)[:, None]
    scale_factor = -math.log(10000.0) / d_model
    div_term = jnp.exp(jnp.arange(0, d_model, 2, dtype=jnp.float32) * scale_factor)
    pe = jnp.zeros((max_length, d_model), dtype=jnp.float32)
    pe = pe.at[:, 0::2].set(jnp.sin(position * div_term))
    pe = pe.at[:, 1::2].set(jnp.cos(position * div_term))
    return pe[None, :, :]  # [1, max_length, d_model]


def setup_inputs(seed: int = 0) -> dict:
    key = jax.random.key(seed)
    k1, k2 = jax.random.split(key)
    embedded = jax.random.normal(k1, (4, 8192, D_MODEL), dtype=jnp.float32)
    symbol = jax.random.randint(k2, (4, 8192), 0, 1000, dtype=jnp.int64 if jax.config.read('jax_enable_x64') else jnp.int32)
    return {"embedded": embedded, "symbol": symbol}


def reference(embedded, symbol):
    B, L = symbol.shape
    pe = make_positional_encoding(MAX_LENGTH, D_MODEL)  # [1, max_length, d]
    # out = positional_encoding.repeat(B, 1, 1)
    out = jnp.broadcast_to(pe, (B, MAX_LENGTH, D_MODEL))
    # mask is None -> indices = arange(L)
    indices = jnp.arange(L)
    # out = out[arange(B)[:, None], indices]  (gather along time dim)
    batch_idx = jnp.arange(B)[:, None]
    out = out[batch_idx, indices[None, :]]  # [B, L, d]
    # zero out PAD positions
    out = out * (symbol != PAD_IDX).astype(out.dtype)[:, :, None]
    return embedded + out

if __name__ == "__main__":
    import jax
    _d = setup_inputs()
    print(jax.jit(kernel)(*tuple(_d.values())))

</pallas_src>

<mosaic_0001>
#map = affine_map<(d0, d1) -> (0, 0, 0)>
#map1 = affine_map<(d0, d1) -> (0, 0)>
module attributes {stable_mosaic.version = 14 : i64} {
  func.func @_sc_kernel(%arg0: i32, %arg1: i32, %arg2: memref<4x8192x1024xf32, #tpu.memory_space<hbm>>, %arg3: memref<4x8192x16xf32, #tpu.memory_space<hbm>>, %arg4: memref<8192x1024xf32, #tpu.memory_space<hbm>>, %arg5: memref<4x8192x1024xf32, #tpu.memory_space<hbm>>, %arg6: memref<32x1024xf32, #tpu.memory_space<vmem>>, %arg7: memref<32x1024xf32, #tpu.memory_space<vmem>>, %arg8: memref<32x1024xf32, #tpu.memory_space<vmem>>, %arg9: memref<32x16xf32, #tpu.memory_space<vmem>>) attributes {dimension_semantics = [#tpu.dimension_semantics<core_parallel>, #tpu.dimension_semantics<subcore_parallel>], iteration_bounds = array<i64: 2, 16>, scalar_prefetch = 0 : i64, scratch_operands = 4 : i64, tpu.core_type = #tpu.core_type<sc_vector_subcore>, window_params = [{transform_indices = #map}, {transform_indices = #map}, {transform_indices = #map1}, {transform_indices = #map}]} {
    %mul3A = arith.constant 2 : i32
    %mul3A_0 = arith.muli %arg1, %mul3A : i32
    %add3A = arith.addi %mul3A_0, %arg0 : i32
    %mul3A_1 = arith.constant 256 : i32
    %mul3A_2 = arith.muli %add3A, %mul3A_1 : i32
    %scan3A = arith.constant 0 : i32
    %scan3A_3 = arith.constant 0 : i32
    %scan3A_4 = arith.constant 8 : i32
    %scan3A_5 = arith.addi %scan3A_3, %scan3A_4 : i32
    %scan3A_6 = arith.constant 1 : i32
    %scan3A_7 = scf.for %scan3A_9 = %scan3A_3 to %scan3A_5 step %scan3A_6 iter_args(%scan3A_10 = %scan3A) -> (i32)  : i32 {
      %mul3A_11 = arith.constant 32 : i32
      %mul3A_12 = arith.muli %scan3A_9, %mul3A_11 : i32
      %add3A_13 = arith.addi %mul3A_2, %mul3A_12 : i32
      "tpu.region"() ({
        %run_scoped3A = tpu.sem_alloc : memref<!tpu.dma_semaphore, #tpu.memory_space<semaphore_mem>>
        %dma_start3A = arith.constant 0 : i32
        %dma_start3A_22 = tpu.memref_slice %arg4[%add3A_13, %dma_start3A] : memref<8192x1024xf32, #tpu.memory_space<hbm>> -> memref<32x1024xf32, #tpu.memory_space<hbm>>
        %dma_start3A_23 = arith.constant 0 : i32
        %dma_start3A_24 = tpu.memref_slice %arg4[%add3A_13, %dma_start3A_23] : memref<8192x1024xf32, #tpu.memory_space<hbm>> -> memref<32x1024xf32, #tpu.memory_space<hbm>>
        tpu.enqueue_dma source(%dma_start3A_24 : memref<32x1024xf32, #tpu.memory_space<hbm>>) target(%arg6 : memref<32x1024xf32, #tpu.memory_space<vmem>>) target_semaphore(%run_scoped3A : memref<!tpu.dma_semaphore, #tpu.memory_space<semaphore_mem>>)
        %dma_wait3A = arith.constant 0 : i32
        %dma_wait3A_25 = tpu.memref_slice %arg4[%add3A_13, %dma_wait3A] : memref<8192x1024xf32, #tpu.memory_space<hbm>> -> memref<32x1024xf32, #tpu.memory_space<hbm>>
        %dma_wait3A_26 = arith.constant 0 : i32
        %dma_wait3A_27 = tpu.memref_slice %arg4[%add3A_13, %dma_wait3A_26] : memref<8192x1024xf32, #tpu.memory_space<hbm>> -> memref<32x1024xf32, #tpu.memory_space<hbm>>
        tpu.wait_dma2 semaphore(%run_scoped3A : memref<!tpu.dma_semaphore, #tpu.memory_space<semaphore_mem>>) src(%dma_wait3A_27 : memref<32x1024xf32, #tpu.memory_space<hbm>>) dst(%arg6 : memref<32x1024xf32, #tpu.memory_space<vmem>>)
        tpu.yield
      }) : () -> ()
      %scan3A_14 = arith.constant 0 : i32
      %scan3A_15 = arith.constant 0 : i32
      %scan3A_16 = arith.constant 4 : i32
      %scan3A_17 = arith.addi %scan3A_15, %scan3A_16 : i32
      %scan3A_18 = arith.constant 1 : i32
      %scan3A_19 = scf.for %scan3A_22 = %scan3A_15 to %scan3A_17 step %scan3A_18 iter_args(%scan3A_23 = %scan3A_14) -> (i32)  : i32 {
        "tpu.region"() ({
          %run_scoped3A = tpu.sem_alloc : memref<!tpu.dma_semaphore, #tpu.memory_space<semaphore_mem>>
          %dma_start3A = arith.constant 0 : i32
          %dma_start3A_32 = tpu.memref_slice %arg2[%scan3A_22, %add3A_13, %dma_start3A] : memref<4x8192x1024xf32, #tpu.memory_space<hbm>> -> memref<1x32x1024xf32, #tpu.memory_space<hbm>>
          %dma_start3A_33 = tpu.memref_squeeze %dma_start3A_32 : memref<1x32x1024xf32, #tpu.memory_space<hbm>> -> memref<32x1024xf32, #tpu.memory_space<hbm>>
          %dma_start3A_34 = arith.constant 0 : i32
          %dma_start3A_35 = tpu.memref_slice %arg2[%scan3A_22, %add3A_13, %dma_start3A_34] : memref<4x8192x1024xf32, #tpu.memory_space<hbm>> -> memref<1x32x1024xf32, #tpu.memory_space<hbm>>
          %dma_start3A_36 = tpu.memref_squeeze %dma_start3A_35 : memref<1x32x1024xf32, #tpu.memory_space<hbm>> -> memref<32x1024xf32, #tpu.memory_space<hbm>>
          tpu.enqueue_dma source(%dma_start3A_36 : memref<32x1024xf32, #tpu.memory_space<hbm>>) target(%arg7 : memref<32x1024xf32, #tpu.memory_space<vmem>>) target_semaphore(%run_scoped3A : memref<!tpu.dma_semaphore, #tpu.memory_space<semaphore_mem>>)
          %dma_wait3A = arith.constant 0 : i32
          %dma_wait3A_37 = tpu.memref_slice %arg2[%scan3A_22, %add3A_13, %dma_wait3A] : memref<4x8192x1024xf32, #tpu.memory_space<hbm>> -> memref<1x32x1024xf32, #tpu.memory_space<hbm>>
          %dma_wait3A_38 = tpu.memref_squeeze %dma_wait3A_37 : memref<1x32x1024xf32, #tpu.memory_space<hbm>> -> memref<32x1024xf32, #tpu.memory_space<hbm>>
          %dma_wait3A_39 = arith.constant 0 : i32
          %dma_wait3A_40 = tpu.memref_slice %arg2[%scan3A_22, %add3A_13, %dma_wait3A_39] : memref<4x8192x1024xf32, #tpu.memory_space<hbm>> -> memref<1x32x1024xf32, #tpu.memory_space<hbm>>
          %dma_wait3A_41 = tpu.memref_squeeze %dma_wait3A_40 : memref<1x32x1024xf32, #tpu.memory_space<hbm>> -> memref<32x1024xf32, #tpu.memory_space<hbm>>
          tpu.wait_dma2 semaphore(%run_scoped3A : memref<!tpu.dma_semaphore, #tpu.memory_space<semaphore_mem>>) src(%dma_wait3A_41 : memref<32x1024xf32, #tpu.memory_space<hbm>>) dst(%arg7 : memref<32x1024xf32, #tpu.memory_space<vmem>>)
          tpu.yield
        }) : () -> ()
        "tpu.region"() ({
          %run_scoped3A = tpu.sem_alloc : memref<!tpu.dma_semaphore, #tpu.memory_space<semaphore_mem>>
          %dma_start3A = arith.constant 0 : i32
          %dma_start3A_32 = tpu.memref_slice %arg3[%scan3A_22, %add3A_13, %dma_start3A] : memref<4x8192x16xf32, #tpu.memory_space<hbm>> -> memref<1x32x16xf32, #tpu.memory_space<hbm>>
          %dma_start3A_33 = tpu.memref_squeeze %dma_start3A_32 : memref<1x32x16xf32, #tpu.memory_space<hbm>> -> memref<32x16xf32, #tpu.memory_space<hbm>>
          %dma_start3A_34 = arith.constant 0 : i32
          %dma_start3A_35 = tpu.memref_slice %arg3[%scan3A_22, %add3A_13, %dma_start3A_34] : memref<4x8192x16xf32, #tpu.memory_space<hbm>> -> memref<1x32x16xf32, #tpu.memory_space<hbm>>
          %dma_start3A_36 = tpu.memref_squeeze %dma_start3A_35 : memref<1x32x16xf32, #tpu.memory_space<hbm>> -> memref<32x16xf32, #tpu.memory_space<hbm>>
          tpu.enqueue_dma source(%dma_start3A_36 : memref<32x16xf32, #tpu.memory_space<hbm>>) target(%arg9 : memref<32x16xf32, #tpu.memory_space<vmem>>) target_semaphore(%run_scoped3A : memref<!tpu.dma_semaphore, #tpu.memory_space<semaphore_mem>>)
          %dma_wait3A = arith.constant 0 : i32
          %dma_wait3A_37 = tpu.memref_slice %arg3[%scan3A_22, %add3A_13, %dma_wait3A] : memref<4x8192x16xf32, #tpu.memory_space<hbm>> -> memref<1x32x16xf32, #tpu.memory_space<hbm>>
          %dma_wait3A_38 = tpu.memref_squeeze %dma_wait3A_37 : memref<1x32x16xf32, #tpu.memory_space<hbm>> -> memref<32x16xf32, #tpu.memory_space<hbm>>
          %dma_wait3A_39 = arith.constant 0 : i32
          %dma_wait3A_40 = tpu.memref_slice %arg3[%scan3A_22, %add3A_13, %dma_wait3A_39] : memref<4x8192x16xf32, #tpu.memory_space<hbm>> -> memref<1x32x16xf32, #tpu.memory_space<hbm>>
          %dma_wait3A_41 = tpu.memref_squeeze %dma_wait3A_40 : memref<1x32x16xf32, #tpu.memory_space<hbm>> -> memref<32x16xf32, #tpu.memory_space<hbm>>
          tpu.wait_dma2 semaphore(%run_scoped3A : memref<!tpu.dma_semaphore, #tpu.memory_space<semaphore_mem>>) src(%dma_wait3A_41 : memref<32x16xf32, #tpu.memory_space<hbm>>) dst(%arg9 : memref<32x16xf32, #tpu.memory_space<vmem>>)
          tpu.yield
        }) : () -> ()
        %scan3A_24 = arith.constant 0 : i32
        %scan3A_25 = arith.constant 0 : i32
        %scan3A_26 = arith.constant 32 : i32
        %scan3A_27 = arith.addi %scan3A_25, %scan3A_26 : i32
        %scan3A_28 = arith.constant 1 : i32
        %scan3A_29 = scf.for %scan3A_32 = %scan3A_25 to %scan3A_27 step %scan3A_28 iter_args(%scan3A_33 = %scan3A_24) -> (i32)  : i32 {
          %get3A = arith.index_cast %scan3A_32 : i32 to index
          %get3A_34 = arith.constant 0 : index
          %get3A_35 = tpu.vector_load %arg9[%get3A, %get3A_34] {strides = array<i32>} : memref<32x16xf32, #tpu.memory_space<vmem>>, vector<1x16xf32>,
          %get3A_36 = vector.shape_cast %get3A_35 : vector<1x16xf32> to vector<16xf32>
          %scan3A_37 = arith.constant 0 : i32
          %scan3A_38 = arith.constant 0 : i32
          %scan3A_39 = arith.constant 64 : i32
          %scan3A_40 = arith.addi %scan3A_38, %scan3A_39 : i32
          %scan3A_41 = arith.constant 1 : i32
          %scan3A_42 = scf.for %scan3A_45 = %scan3A_38 to %scan3A_40 step %scan3A_41 iter_args(%scan3A_46 = %scan3A_37) -> (i32)  : i32 {
            %mul3A_47 = arith.constant 16 : i32
            %mul3A_48 = arith.muli %scan3A_45, %mul3A_47 : i32
            %get3A_49 = arith.index_cast %scan3A_32 : i32 to index
            %get3A_50 = arith.index_cast %mul3A_48 : i32 to index
            %get3A_51 = tpu.vector_load %arg7[%get3A_49, %get3A_50] {strides = array<i32>} : memref<32x1024xf32, #tpu.memory_space<vmem>>, vector<1x16xf32>,
            %get3A_52 = vector.shape_cast %get3A_51 : vector<1x16xf32> to vector<16xf32>
            %get3A_53 = arith.index_cast %scan3A_32 : i32 to index
            %get3A_54 = arith.index_cast %mul3A_48 : i32 to index
            %get3A_55 = tpu.vector_load %arg6[%get3A_53, %get3A_54] {strides = array<i32>} : memref<32x1024xf32, #tpu.memory_space<vmem>>, vector<1x16xf32>,
            %get3A_56 = vector.shape_cast %get3A_55 : vector<1x16xf32> to vector<16xf32>
            %mul3A_57 = arith.mulf %get3A_56, %get3A_36 : vector<16xf32>
            %add3A_58 = arith.addf %get3A_52, %mul3A_57 : vector<16xf32>
            %swap3A = arith.index_cast %scan3A_32 : i32 to index
            %swap3A_59 = arith.index_cast %mul3A_48 : i32 to index
            %swap3A_60 = tpu.vector_load %arg8[%swap3A, %swap3A_59] {strides = array<i32>} : memref<32x1024xf32, #tpu.memory_space<vmem>>, vector<1x16xf32>,
            %swap3A_61 = vector.shape_cast %swap3A_60 : vector<1x16xf32> to vector<16xf32>
            %swap3A_62 = vector.shape_cast %add3A_58 : vector<16xf32> to vector<1x16xf32>
            tpu.vector_store %arg8[%swap3A, %swap3A_59], %swap3A_62 {strides = array<i32>} : memref<32x1024xf32, #tpu.memory_space<vmem>>, vector<1x16xf32>,
            %scan3A_63 = arith.constant 0 : i32
            scf.yield %scan3A_63 : i32
          }
          %scan3A_43 = arith.constant 64 : i32
          %scan3A_44 = arith.constant 0 : i32
          scf.yield %scan3A_44 : i32
        }
        %scan3A_30 = arith.constant 32 : i32
        "tpu.region"() ({
          %run_scoped3A = tpu.sem_alloc : memref<!tpu.dma_semaphore, #tpu.memory_space<semaphore_mem>>
          %dma_start3A = arith.constant 0 : i32
          %dma_start3A_32 = tpu.memref_slice %arg5[%scan3A_22, %add3A_13, %dma_start3A] : memref<4x8192x1024xf32, #tpu.memory_space<hbm>> -> memref<1x32x1024xf32, #tpu.memory_space<hbm>>
          %dma_start3A_33 = tpu.memref_squeeze %dma_start3A_32 : memref<1x32x1024xf32, #tpu.memory_space<hbm>> -> memref<32x1024xf32, #tpu.memory_space<hbm>>
          %dma_start3A_34 = arith.constant 0 : i32
          %dma_start3A_35 = tpu.memref_slice %arg5[%scan3A_22, %add3A_13, %dma_start3A_34] : memref<4x8192x1024xf32, #tpu.memory_space<hbm>> -> memref<1x32x1024xf32, #tpu.memory_space<hbm>>
          %dma_start3A_36 = tpu.memref_squeeze %dma_start3A_35 : memref<1x32x1024xf32, #tpu.memory_space<hbm>> -> memref<32x1024xf32, #tpu.memory_space<hbm>>
          tpu.enqueue_dma source(%arg8 : memref<32x1024xf32, #tpu.memory_space<vmem>>) target(%dma_start3A_36 : memref<32x1024xf32, #tpu.memory_space<hbm>>) target_semaphore(%run_scoped3A : memref<!tpu.dma_semaphore, #tpu.memory_space<semaphore_mem>>)
          %dma_wait3A = arith.constant 0 : i32
          %dma_wait3A_37 = tpu.memref_slice %arg5[%scan3A_22, %add3A_13, %dma_wait3A] : memref<4x8192x1024xf32, #tpu.memory_space<hbm>> -> memref<1x32x1024xf32, #tpu.memory_space<hbm>>
          %dma_wait3A_38 = tpu.memref_squeeze %dma_wait3A_37 : memref<1x32x1024xf32, #tpu.memory_space<hbm>> -> memref<32x1024xf32, #tpu.memory_space<hbm>>
          %dma_wait3A_39 = arith.constant 0 : i32
          %dma_wait3A_40 = tpu.memref_slice %arg5[%scan3A_22, %add3A_13, %dma_wait3A_39] : memref<4x8192x1024xf32, #tpu.memory_space<hbm>> -> memref<1x32x1024xf32, #tpu.memory_space<hbm>>
          %dma_wait3A_41 = tpu.memref_squeeze %dma_wait3A_40 : memref<1x32x1024xf32, #tpu.memory_space<hbm>> -> memref<32x1024xf32, #tpu.memory_space<hbm>>
          tpu.wait_dma2 semaphore(%run_scoped3A : memref<!tpu.dma_semaphore, #tpu.memory_space<semaphore_mem>>) src(%arg8 : memref<32x1024xf32, #tpu.memory_space<vmem>>) dst(%dma_wait3A_41 : memref<32x1024xf32, #tpu.memory_space<hbm>>)
          tpu.yield
        }) : () -> ()
        %scan3A_31 = arith.constant 0 : i32
        scf.yield %scan3A_31 : i32
      }
      %scan3A_20 = arith.constant 4 : i32
      %scan3A_21 = arith.constant 0 : i32
      scf.yield %scan3A_21 : i32
    }
    %scan3A_8 = arith.constant 8 : i32
    return
  }
}

</mosaic_0001>

<sc_bundles>
// kernel: kernel.3.cloned.1.call-start
scs
__scs_entry_jumppad:
0x0: {  	(pc) =	sbr.rel $0x88, $3  }
0x1: {  	(tag) =	ssettag $0x0;
	lr =	simm.s32 $0x1  }
0x2: {  	[smem:$0x3F9F] =	sst lr;
	_ =	strace $0xD0000000  }
0x3: {  	_ = 	snop  }
0x4: {  	_ = 	snop  }
0x5: {  	_ = 	snop  }
0x6: {  	_ = 	snop  }
0x7: {  	_ = 	snop  }
__scs_overlays_trampoline_lowered:
0x8: {  	[smem:$0x3FAE] =	sst s0  }
0x9: {  	[smem:$0x3FAF] =	sst s1  }
0xa: {  	[smem:$0x3FB0] =	sst s2  }
0xb: {  	[smem:$0x3FB1] =	sst s3  }
0xc: {  	[smem:$0x3FB2] =	sst s4  }
0xd: {  	[smem:$0x3FB3] =	sst s5  }
0xe: {  	[smem:$0x3FB4] =	sst s6  }
0xf: {  	[smem:$0x3FB5] =	sst s7  }
0x10: {  	[smem:$0x3FB6] =	sst s8  }
0x11: {  	[smem:$0x3FB7] =	sst s9;
	s0 =	simm.s32 @!p0 $0x0  }
0x12: {  	s1 =	sld [smem:$0x3F9D];
	s0 =	simm.s32 @p0 $0x1  }
0x13: {  	[smem:$0x3FB8] =	sst s0;
	s0 =	simm.s32 @!p1 $0x0  }
0x14: {  	s2 =	sld [smem:$0x3F9C];
	s0 =	simm.s32 @p1 $0x1  }
0x15: {  	[smem:$0x3FB9] =	sst s0;
	s0 =	simm.s32 @!p2 $0x0  }
0x16: {  	s3 =	sld [smem:$0x3FDB];
	s0 =	simm.s32 @p2 $0x1  }
0x17: {  	s4 =	simm.s32 $0x1BF5;
	[smem:$0x3FBB] =	sst s0  }
0x18: {  	s0 =	sld [smem:$0x3F9E];
	_ =	swait.ge [sflag:s4], $0x0  }
0x19: {  	s7 =	sld [smem:$0x3F9F]  }
0x1a: {  	s8 =	sadd.s32 $0xFFFFE003, lr  }
0x1b: {  	s9 =	sadd.s32 $0xFFFFFEF7, lr;
	s5 =	simm.s32 $0xFFFFFFFF;
	p2 =	slt.u32 s8, $0xFFFFF086  }
0x1c: {  	p1 =	slt.u32 s9, $0xF7A;
	s5 =	simm.s32 @!p2 $0x0  }
0x1d: {  	s5 =	simm.s32 @p1 $0x1;
	p0 =	seq.s32 s7, s2  }
0x1e: {  	s7 =	smul.u32 @!p0 $0xF7A, s2;
	p2 =	seq.s32 @!p0 s5, $0x0  }
0x1f: {  	s9 =	smul.u32 $0xF7A, s1;
	s8 =	simm.s32 @!p0 $0x1BF5;
	p2 =	por !p2, p0  }
0x20: {  	[sflag:s8] =	ssyncset.s32 @!p0 $0xFFFFF086;
	s6 =	sadd.s32 @!p0 s3, s7;
	s7 =	simm.s32 @!p0 $0x108  }
0x21: {  	s3 =	sadd.s32 s3, s9;
	s6 =	sadd.s32 @!p0 $0x88, s6;
	s7 =	simm.s32 @p2 $0x1082  }
0x22: {  	[simem:s7], [sflag:s8] =	dma.local @!p0 [hbm:s6], $0xF7A  }
0x23: {  	s9 =	sor.u32 $0xD0000000, s2;
	s6 =	simm.s32 $0x108;
	_ =	swait.ge @!p0 [sflag:s8], $0x0  }
0x24: {  	s3 =	sadd.s32 $0x88, s3;
	s6 =	simm.s32 @!p1 $0x1082;
	[sflag:s4] =	ssyncset.s32 $0xFFFFF086  }
0x25: {  	[simem:s6], [sflag:s4] =	dma.local [hbm:s3], $0xF7A  }
0x26: {  	[smem:$0x3F9F] =	sst s1;
	(tag) =	ssettag s2;
	_ =	strace s9  }
0x27: {  	s1 =	sld [smem:$0x3FAF]  }
0x28: {  	s2 =	sld [smem:$0x3FB0]  }
0x29: {  	s4 =	sld [smem:$0x3FB2]  }
0x2a: {  	p0 =	seq.s32 s5, $0x0;
	s5 =	sld [smem:$0x3FB3]  }
0x2b: {  	s6 =	sld [smem:$0x3FB4]  }
0x2c: {  	s7 =	sld [smem:$0x3FB5]  }
0x2d: {  	s3 =	simm.s32 $0x108;
	s8 =	sld [smem:$0x3FB6]  }
0x2e: {  	s3 =	simm.s32 @!p0 $0x1082;
	s9 =	sld [smem:$0x3FB7]  }
0x2f: {  	lr =	sadd.s32 s0, s3;
	s0 =	sld [smem:$0x3FAE]  }
0x30: {  	s3 =	sld [smem:$0x3FB1]  }
0x31: {  	[smem:$0x3FBA] =	sst s10  }
0x32: {  	s10 =	sld [smem:$0x3FB8];
	_ =	sdelay $0x3  }
0x33: {  	p0 =	seq.s32 s10, $0x1;
	s10 =	sld [smem:$0x3FBA];
	_ =	sdelay $0x3  }
0x34: {  	[smem:$0x3FBA] =	sst s10  }
0x35: {  	s10 =	sld [smem:$0x3FB9];
	_ =	sdelay $0x3  }
0x36: {  	p1 =	seq.s32 s10, $0x1;
	s10 =	sld [smem:$0x3FBA];
	_ =	sdelay $0x3  }
0x37: {  	[smem:$0x3FBA] =	sst s10  }
0x38: {  	s10 =	sld [smem:$0x3FBB]  }
0x39: {  	_ = 	snop;
	(pc) =	sbr.ind lr, $3  }
0x3a: {  	_ = 	snop  }
0x3b: {  	_ = 	snop  }
0x3c: {  	p2 =	seq.s32 s10, $0x1;
	s10 =	sld [smem:$0x3FBA]  }
0x3d: {  	_ =	shalt  }
0x3e: {  	_ =	shalt  }
0x3f: {  	_ =	shalt  }
0x40: {  	_ =	shalt  }
0x41: {  	_ =	shalt  }
0x42: {  	_ =	shalt  }
0x43: {  	_ =	shalt  }
0x44: {  	_ =	shalt  }
0x45: {  	_ =	shalt  }
0x46: {  	_ =	shalt  }
0x47: {  	_ =	shalt  }
0x48: {  	_ =	shalt  }
0x49: {  	_ =	shalt  }
0x4a: {  	_ =	shalt  }
0x4b: {  	_ =	shalt  }
0x4c: {  	_ =	shalt  }
0x4d: {  	_ =	shalt  }
0x4e: {  	_ =	shalt  }
0x4f: {  	_ =	shalt  }
0x50: {  	_ =	shalt  }
0x51: {  	_ =	shalt  }
0x52: {  	_ =	shalt  }
0x53: {  	_ =	shalt  }
0x54: {  	_ =	shalt  }
0x55: {  	_ =	shalt  }
0x56: {  	_ =	shalt  }
0x57: {  	_ =	shalt  }
0x58: {  	_ =	shalt  }
0x59: {  	_ =	shalt  }
0x5a: {  	_ =	shalt  }
0x5b: {  	_ =	shalt  }
0x5c: {  	_ =	shalt  }
0x5d: {  	_ =	shalt  }
0x5e: {  	_ =	shalt  }
0x5f: {  	_ =	shalt  }
0x60: {  	_ =	shalt  }
0x61: {  	_ =	shalt  }
0x62: {  	_ =	shalt  }
0x63: {  	_ =	shalt  }
0x64: {  	_ =	shalt  }
0x65: {  	_ =	shalt  }
0x66: {  	_ =	shalt  }
0x67: {  	_ =	shalt  }
0x68: {  	_ =	shalt  }
0x69: {  	_ =	shalt  }
0x6a: {  	_ =	shalt  }
0x6b: {  	_ =	shalt  }
0x6c: {  	_ =	shalt  }
0x6d: {  	_ =	shalt  }
0x6e: {  	_ =	shalt  }
0x6f: {  	_ =	shalt  }
0x70: {  	_ =	shalt  }
0x71: {  	_ =	shalt  }
0x72: {  	_ =	shalt  }
0x73: {  	_ =	shalt  }
0x74: {  	_ =	shalt  }
0x75: {  	_ =	shalt  }
0x76: {  	_ =	shalt  }
0x77: {  	_ =	shalt  }
0x78: {  	_ =	shalt  }
0x79: {  	_ =	shalt  }
0x7a: {  	_ =	shalt  }
0x7b: {  	_ =	shalt  }
0x7c: {  	_ =	shalt  }
0x7d: {  	_ =	shalt  }
0x7e: {  	_ =	shalt  }
0x7f: {  	_ =	shalt  }
0x80: {  	_ =	shalt  }
0x81: {  	_ =	shalt  }
0x82: {  	_ =	shalt  }
0x83: {  	_ =	shalt  }
0x84: {  	_ =	shalt  }
0x85: {  	_ =	shalt  }
0x86: {  	_ =	shalt  }
0x87: {  	_ =	shalt  }
.Lfunc_end0:
.L_simem_size_0:
called_computation_lowered:
.L_overlay_start_0:
0x88: {  	s2 =	sld [smem:$0x3FD9]  }
0x89: {  	s3 =	sld [smem:$0x3FFE];
	_ =	sdelay $0x1  }
0x8a: {  	s1 =	srdreg.scid  }
0x8b: {  	s0 =	sand.u32 $0x1, s1  }
0x8c: {  	s17 =	sshll.u32 s0, $0xA;
	s2 =	sadd.s32 s3, s2  }
0x8d: {  	s2 =	sadd.s32 s2, s17  }
0x8e: {  	[smem:$0x3FC6] =	sst s2  }
0x8f: {  	_ = 	snop  }
0x90: {  	s2 =	sld [smem:$0x3FC9]  }
0x91: {  	s18 =	sld [smem:$0x3FD0];
	(tm) =	ssettm $0x1  }
0x92: {  	s4 =	sld [smem:$0x3FFB];
	_ =	sdelay $0x3  }
0x93: {  	_ =	strace s4  }
0x94: {  	s4 =	sld [smem:$0x3FFC];
	_ =	sdelay $0x3  }
0x95: {  	_ =	strace s4  }
0x96: {  	s4 =	sld [smem:$0x3FFD];
	_ =	sdelay $0x3  }
0x97: {  	_ =	strace s4  }
0x98: {  	_ =	strace $0x8FFFFFFF  }
0x99: {  	s19 =	sld [smem:$0x3FDB];
	_ =	sdelay $0x1  }
0x9a: {  	s5 =	simm.s32 $_scs_section_size  }
0x9b: {  	s6 =	simm.s32 $_size__tile_overlayer_lowered;
	s7 =	simm.s32 $_tile_overlayer_lowered  }
0x9c: {  	s22 =	simm.s32 $0x1BFF;
	s21 =	sshll.u32 s7, $0x1;
	s4 =	sadd.s32 s5, s19  }
0x9d: {  	s8 =	simm.s32 $0x0;
	s20 =	sshll.u32 s6, $0x1;
	s6 =	sadd.s32 s21, s4  }
0x9e: {  	[timem:s8], [sflag:s22] =	dma.local [hbm:s6], s20  }
0x9f: {  	_ =	swait.ge [sflag:s22], s20  }
0xa0: {  	s5 =	ssub.s32 $0x0, s20;
	[sflag:s22] =	ssyncset.done $0x0  }
0xa1: {  	[sflag:s22] =	ssyncadd.s32 s5;
	_ =	sdelay $0x1  }
0xa2: {  	s23 =	simm.s32 $0x1B8B  }
0xa3: {  	_ =	swait.ge [sflag:s23], $0x1  }
0xa4: {  	[sflag:s23] =	ssyncset.done $0x0  }
0xa5: {  	s25 =	simm.s32 $0x1B8E;
	s24 =	sld [smem:$0x3FFE];
	[sflag:s23] =	ssyncadd.s32 $0xFFFFFFFF  }
0xa6: {  	s26 =	simm.s32 $execute0_lowered;
	[smem:$0x3FD2] =	sst s25  }
0xa7: {  	s6 =	sshll.u32 s26, $0x1;
	_ =	strace $0x80000046;
	[dreg:$0x1] =	wrdreg $0xFFFFFFFF  }
0xa8: {  	s28 =	simm.s32 $_size_execute0_lowered;
	s4 =	sadd.s32 s4, s6;
	[dreg:$0x0] =	wrdreg $0x0  }
0xa9: {  	s6 =	sshll.u32 s28, $0x1;
	[dreg:$0x2] =	wrdreg s4  }
0xaa: {  	[dreg:$0x3] =	wrdreg s6  }
0xab: {  	[dreg:$0x4] =	wrdreg $0xC0  }
0xac: {  	_ =	task [dreg:s8], $0x5FFFF  }
0xad: {  	[dreg:$0x1] =	wrdreg $0xFFFFFFFF  }
0xae: {  	[dreg:$0x0] =	wrdreg $0x60  }
0xaf: {  	[dreg:$0x2] =	wrdreg s2  }
0xb0: {  	[dreg:$0x3] =	wrdreg s24  }
0xb1: {  	[dreg:$0x4] =	wrdreg s18  }
0xb2: {  	[dreg:$0x5] =	wrdreg $0x9  }
0xb3: {  	_ =	task.clear_ibuf [dreg:s8], $0x6FFFF;
	_ =	strace $0x90000046  }
0xb4: {  	s29 =	simm.s32 $0x9;
	_ =	strace $0x80000048  }
0xb5: {  	_ =	swait.ge [sflag:s29], $0x1  }
0xb6: {  	[sflag:s29] =	ssyncadd.s32 $0xFFFFFFFF  }
0xb7: {  	_ =	strace $0x90000048  }
0xb8: {  	_ =	sfence  }
0xb9: {  	s30 =	sld [smem:$0x0];
	_ =	sdelay $0x2  }
0xba: {  	s31 =	sshll.u32 s1, $0xD;
	s1 =	sshrl.u32 s1, $0x2  }
0xbb: {  	s3 =	sand.u32 $0x4000, s31;
	s1 =	sadd.s32 s1, s30  }
0xbc: {  	s0 =	sor.u32 s3, s0;
	s1 =	sshll.u32 s1, $0x11  }
0xbd: {  	s0 =	sor.u32 s1, s0  }
0xbe: {  	s0 =	sadd.s32 $0x8F2B, s0  }
0xbf: {  	[sflag:s0] =	ssyncadd.remote.s32 $0x1  }
0xc0: {  	_ =	sfence.sel $0xFFFF  }
0xc1: {  	[dreg:$0x0] =	wrdreg $0xFFFFFFFF;
	(pc) =	sbr.abs _section_cstart, $3  }
0xc2: {  	[dreg:$0x1] =	wrdreg $0xFFFFFFFF  }
0xc3: {  	_ =	task.clear_ibuf [dreg:s8], $0x2FFFF;
	_ =	strace $0x9FFFFFFF  }
0xc4: {  	(tm) =	ssettm $0x7FFFFFFF  }
0xc5: {  	_ =	shalt  }
tec
execute0_lowered:
.L_overlay_start_1:
0x0: {  	(tag) =	ssettag $0x1  }
0x1: {  	s1 =	rddreg [dreg:$0x0]  }
0x2: {  	s6 =	rddreg [dreg:$0x1]  }
0x3: {  	s2 =	rddreg [dreg:$0x2]  }
0x4: {  	s0 =	rddreg [dreg:$0x3]  }
0x5: {  	s3 =	simm.s32 $0x0;
	s4 =	srdreg.scid;
	s11 =	simm.s32 $0x18000  }
0x6: {  	s12 =	simm.s32 $0x10000;
	s13 =	simm.s32 $0x0;
	s16 =	simm.s32 $0x0  }
0x7: {  	[smem:$0x7FF] =	sst s3;
	s7 =	sand.u32 $0x1, s4;
	s5 =	sadd.s32 $0x400, s6  }
0x8: {  	s4 =	stileid.u32;
	s6 =	sadd.s32 $0x80400, s6;
	s8 =	ssub.s32 $0x2, s7  }
0x9: {  	s10 =	sshll.u32 s4, $0x9;
	s7 =	sshll.u32 s7, $0x8;
	s9 =	sshrl.u32 s8, $0x1  }
0xa: {  	_ =	strace $0x80000047;
	s7 =	sor.u32 s7, s10;
	s8 =	ssub.s32 s8, s9  }
0xb: {  	s10 =	simm.s32 $0x8000;
	s9 =	simm.s32 $0x1;
	s8 =	smax.u32 s8, $0x1  }
.LBB2_1:
0xc: {  	s14 =	simm.s32 $0x0  }
.LBB2_2:
0xd: {  	s15 =	sshll.u32 s14, $0x5  }
0xe: {  	s17 =	sadd.s32 s7, s15  }
0xf: {  	s15 =	sshll.u32 s17, $0x7  }
0x10: {  	s18 =	sadd.s32 s6, s15  }
0x11: {  	[tilespmem:s16], [sflag:$0x1] =	stream.linear.gather [hbm4b:s18+s16], $0x8000, $0x38;
	[tilespmem:$0x19000] =	vst v63  }
0x12: {  	_ =	swait.ge [sflag:s9], $0x8000  }
0x13: {  	s17 =	sshll.u32 s17, $0x4;
	[sflag:s9] =	ssyncset.done $0x0  }
0x14: {  	s17 =	sadd.s32 s5, s17;
	s18 =	simm.s32 $0x0;
	[sflag:s9] =	ssyncadd.s32 $0xFFFF8000  }
.LBB2_3:
0x15: {  	s19 =	sshll.u32 s18, $0x14  }
0x16: {  	s19 =	sadd.s32 s15, s19  }
0x17: {  	s20 =	sadd.s32 s1, s19  }
0x18: {  	[tilespmem:s10], [sflag:$0x1] =	stream.linear.gather [hbm4b:s20+s16], $0x8000, $0x38;
	[tilespmem:$0x19000] =	vst v63  }
0x19: {  	_ =	swait.ge [sflag:s9], $0x8000  }
0x1a: {  	s31 =	sshll.u32 s18, $0x11;
	[sflag:s9] =	ssyncset.done $0x0  }
0x1b: {  	s20 =	sadd.s32 s31, s17;
	[sflag:s9] =	ssyncadd.s32 $0xFFFF8000  }
0x1c: {  	[tilespmem:s11], [sflag:$0x1] =	stream.linear.gather [hbm4b:s20+s16], $0x1000, $0x38;
	[tilespmem:$0x19000] =	vst v63  }
0x1d: {  	_ =	swait.ge [sflag:s9], $0x1000  }
0x1e: {  	[sflag:s9] =	ssyncset.done $0x0  }
0x1f: {  	s20 =	simm.s32 $0x0;
	[sflag:s9] =	ssyncadd.s32 $0xFFFFF000  }
.LBB2_4:
0x20: {  	s22 =	sshll.u32 s20, $0x7;
	s21 =	sshll.u32 s20, $0xA  }
0x21: {  	s24 =	simm.s32 $0x0;
	s21 =	sand.u32 $0x6000, s21;
	s23 =	sand.u32 $0x380, s22  }
0x22: {  	s29 =	sand.u32 $0x1C00, s24;
	s21 =	sor.u32 s21, s23  }
0x23: {  	s22 =	sand.u32 $0x3FFFFF80, s22;
	s24 =	sand.u32 $0x70, s24;
	s23 =	sor.u32 s29, s21  }
0x24: {  	v0 =	vld [tilespmem:s22+$0x18000];
	s22 =	sor.u32 s24, s23  }
0x25: {  	v1 =	vld [tilespmem:s22+$0x0];
	_ =	sdelay $0x1  }
0x26: {  	s30 =	simm.s32 $0x80;
	v2 =	vld [tilespmem:s22+$0x8000]  }
0x27: {  	s31 =	simm.s32 $0x10;
	s23 =	sand.u32 $0x1C00, s30  }
0x28: {  	s24 =	sand.u32 $0x70, s31;
	s23 =	sor.u32 s23, s21  }
0x29: {  	s23 =	sor.u32 s24, s23;
	v3 =	vmul.f32 v1, v0  }
0x2a: {  	v1 =	vld [tilespmem:s23+$0x0]  }
0x2b: {  	s25 =	simm.s32 $0x100;
	s24 =	simm.s32 $0x20;
	v3 =	vadd.f32 v3, v2;
	v2 =	vld [tilespmem:s23+$0x8000]  }
.LBB2_5:
0x2c: {  	s26 =	sand.u32 $0x1C00, s25;
	p0 =	sne.s32 s24, $0x3F0  }
0x2d: {  	[tilespmem:s22+$0x10000] =	vst v3;
	s28 =	smov.u32 s24;
	s24 =	sadd.s32 $0x10, s24;
	s22 =	smov.u32 s23  }
.Ltmp0:
0x2e: {  	s23 =	sand.u32 $0x70, s28;
	s26 =	sor.u32 s26, s21;
	(pc) =	sbr.rel @p0 .LBB2_5-.Ltmp0, $4  }
0x2f: {  	s23 =	sor.u32 s23, s26;
	v3 =	vmul.f32 v1, v0  }
0x30: {  	v1 =	vld [tilespmem:s23+$0x0]  }
0x31: {  	v3 =	vadd.f32 v3, v2  }
0x32: {  	s25 =	sadd.s32 $0x80, s25;
	v2 =	vld [tilespmem:s23+$0x8000]  }
0x33: {  	s20 =	sadd.s32 $0x1, s20  }
0x34: {  	p0 =	sne.s32 s20, $0x20  }
.Ltmp1:
0x35: {  	v0 =	vmul.f32 v1, v0;
	(pc) =	sbr.rel @p0 .LBB2_4-.Ltmp1, $4  }
0x36: {  	_ = 	snop  }
0x37: {  	v0 =	vadd.f32 v0, v2  }
0x38: {  	[tilespmem:s22+$0x10000] =	vst v3  }
0x39: {  	[tilespmem:s23+$0x10000] =	vst v0  }
0x3a: {  	s18 =	sadd.s32 $0x1, s18  }
0x3b: {  	p0 =	sne.s32 s18, $0x4  }
.Ltmp2:
0x3c: {  	s19 =	sadd.s32 s2, s19;
	(pc) =	sbr.rel @p0 .LBB2_3-.Ltmp2, $4  }
0x3d: {  	[hbm4b:s19+s3] =	stream.linear.scatter [tilespmem:s12], [sflag:$0x1], $0x8000, $0x38;
	[tilespmem:$0x19000] =	vst v63  }
0x3e: {  	_ =	swait.ge [sflag:s9], $0x8000  }
0x3f: {  	[sflag:s9] =	ssyncset.done $0x0  }
0x40: {  	[sflag:s9] =	ssyncadd.s32 $0xFFFF8000  }
0x41: {  	s14 =	sadd.s32 $0x1, s14  }
0x42: {  	p0 =	sne.s32 s14, $0x8  }
.Ltmp3:
0x43: {  	_ = 	snop;
	(pc) =	sbr.rel @p0 .LBB2_2-.Ltmp3, $1  }
0x44: {  	_ =	sdelay $0x3  }
0x45: {  	s13 =	sadd.s32 $0x1, s13  }
0x46: {  	p0 =	sne.s32 s13, s8  }
.Ltmp4:
0x47: {  	_ = 	snop;
	(pc) =	sbr.rel @p0 .LBB2_1-.Ltmp4, $1  }
0x48: {  	_ =	sdelay $0x3  }
0x49: {  	_ =	sfence.sel $0x180000  }
0x4a: {  	[bflag:$0x0] =	sbarrier.arrive $0xFFFF  }
0x4b: {  	p0 =	sne.s32 s4, $0x0;
	_ =	strace $0x90000047  }
0x4c: {  	s0 =	sadd.s32 @!p0 $0x100000, s0;
	[bflag:$0x2] =	sbarrier.arrive $0xFFFF  }
0x4d: {  	[sflag:s0] =	ssyncadd.tile.s32 @!p0 $0x1;
	_ =	shalt  }
.Lfunc_end2:
_tile_overlayer_lowered:
.L_overlay_start_2:
0x4e: {  	(tag) =	ssettag $0x2  }
0x4f: {  	s0 =	rddreg [dreg:$0x0];
	s2 =	stileid.u32  }
0x50: {  	s1 =	rddreg [dreg:$0x1];
	p0 =	sne.s32 s2, $0x0  }
0x51: {  	s3 =	rddreg [dreg:$0x2];
	[bflag:$0x3] =	sbarrier.arrive $0xFFFF;
	s2 =	simm.s32 @!p0 $0x1C01  }
0x52: {  	[timem:s3], [sflag:s2] =	dma.local @!p0 [hbm:s0], s1  }
0x53: {  	s0 =	simm.s32 @!p0 $0x1  }
0x54: {  	_ =	swait.ge @!p0 [sflag:s0], s1  }
0x55: {  	s1 =	ssub.s32 @!p0 $0x0, s1;
	[sflag:s0] =	ssyncset.done @!p0 $0x0  }
0x56: {  	[sflag:s0] =	ssyncadd.s32 @!p0 s1  }
0x57: {  	[bflag:$0x3] =	sbarrier.arrive $0xFFFF  }
0x58: {  	_ =	shalt  }

</sc_bundles>
